<compile_context>
chip_gen: v7x
topology: tpu7x:2x2x1
jax: 0.10.2.dev20260603
libtpu: 0.0.44.dev20260713+nightly
codegen_flags: <defaults>
</compile_context>

<pallas_src>
import functools

import jax
import jax.numpy as jnp
from jax import lax
from jax.experimental import pallas as pl
from jax.experimental.pallas import tpu as pltpu
from jax.experimental.pallas import tpu_sc as plsc

_NC = 2
_NS = 16
_LANES = 16
_NW = _NC * _NS
_LN2 = 0.6931471805599453


@functools.partial(jax.jit, static_argnums=(3,))
def _sc_lr_unigram(x, W, b, NG):
    L, B = x.shape
    V = W.shape[1]
    assert NG == 2, "kernel body hand-unrolls exactly two 16-batch groups"
    bw = NG * _LANES
    mesh = plsc.VectorSubcoreMesh(core_axis_name="c", subcore_axis_name="s",
                                  num_cores=_NC, num_subcores=_NS)

    @functools.partial(
        pl.kernel,
        out_type=jax.ShapeDtypeStruct((2, B), jnp.float32),
        mesh=mesh,
        scratch_types=[
            pltpu.VMEM((L, 128), jnp.int32),
            pltpu.VMEM((V,), jnp.float32),
            pltpu.VMEM((V,), jnp.float32),
            pltpu.VMEM((2 * _LANES,), jnp.float32),
            pltpu.VMEM((bw,), jnp.float32),
            pltpu.VMEM((bw,), jnp.float32),
            pltpu.SemaphoreType.DMA,
        ],
        compiler_params=pltpu.CompilerParams(needs_layout_passes=False),
    )
    def k(x_hbm, w_hbm, b_hbm, o_hbm, idx_v, w0_v, w1_v, b_v, o0_v, o1_v,
          sem):
        wid = lax.axis_index("s") * _NC + lax.axis_index("c")
        base = wid * bw
        blk = pl.multiple_of((wid // 4) * 128, 128)
        cp = pltpu.async_copy(x_hbm.at[:, pl.ds(blk, 128)], idx_v, sem)
        cw0 = pltpu.async_copy(w_hbm.at[0], w0_v, sem)
        cw1 = pltpu.async_copy(w_hbm.at[1], w1_v, sem)
        cb = pltpu.async_copy(b_hbm, b_v, sem)
        cp.wait()
        cw0.wait()
        cw1.wait()
        cb.wait()

        b0 = b_v[pl.ds(0, _LANES)]
        b1 = b_v[pl.ds(_LANES, _LANES)]
        col = (wid % 4) * bw + jax.lax.iota(jnp.int32, 16)

        UNROLL = 5
        assert L % UNROLL == 0

        def acc(j, carry):
            a00, a10, a01, a11 = carry
            for u in range(UNROLL):
                row = jnp.full((_LANES,), j * UNROLL + u, jnp.int32)
                t0 = plsc.load_gather(idx_v, [row, col])
                t1 = plsc.load_gather(idx_v, [row, col + _LANES])
                a00 = a00 + plsc.load_gather(w0_v, [t0])
                a10 = a10 + plsc.load_gather(w1_v, [t0])
                a01 = a01 + plsc.load_gather(w0_v, [t1])
                a11 = a11 + plsc.load_gather(w1_v, [t1])
            return (a00, a10, a01, a11)
        a00, a10, a01, a11 = lax.fori_loop(0, L // UNROLL, acc,
                                           (b0, b1, b0, b1))

        for g, (az, ao) in enumerate(((a00, a10), (a01, a11))):
            s0 = 1.0 / (1.0 + jnp.exp(-az))
            s1 = 1.0 / (1.0 + jnp.exp(-ao))
            d = s1 - s0
            u2 = 0.25 * d * d
            sp = 0.5 * d + _LN2 + u2 * (0.5 + u2 * (-1.0 / 12.0
                                                    + u2 * (1.0 / 45.0)))
            sp = sp + (1.0 + jnp.exp(d)) * jnp.exp(-sp) - 1.0
            o0_v[pl.ds(g * _LANES, _LANES)] = -sp
            o1_v[pl.ds(g * _LANES, _LANES)] = d - sp
        co0 = pltpu.async_copy(o0_v, o_hbm.at[0, pl.ds(base, bw)], sem)
        co1 = pltpu.async_copy(o1_v, o_hbm.at[1, pl.ds(base, bw)], sem)
        co0.wait()
        co1.wait()

    b16 = jnp.broadcast_to(b[:, None], (2, _LANES)).reshape(2 * _LANES)
    return k(x, W, b16)


def kernel(x, embed_weight, W, b):
    L, B = x.shape
    del embed_weight
    NG = B // (_NW * _LANES)
    out2 = _sc_lr_unigram(x, W, b, NG)
    return out2.T

# --- scband reference (transcript-rebuilt; emitter-appended) ---
"""Pipeline reference for scband-lr-unigram-26130581029527 (READ-ONLY COPY).

The authoritative reference and input builder live on the scoring server;
editing this copy changes nothing except your own understanding.
"""

import jax, jax.numpy as jnp
import numpy as np

V = 1000
B = 1024
L = 50
OUT = 2

def setup_inputs(seed: int = 0) -> dict:
    key = jax.random.key(seed)
    k1, k2, k3 = jax.random.split(key, 3)
    # x is [seq_len, batch] of token ids (module transposes internally)
    x = jax.random.randint(k1, (L, B), 0, V, dtype=jnp.int32)
    # frozen identity embedding table (requires_grad=False in torch)
    embed_weight = jnp.eye(V, dtype=jnp.float32)
    # linear layer params (torch nn.Linear: weight [out, in], bias [out])
    W = jax.random.normal(k2, (OUT, V), dtype=jnp.float32) * 0.02
    b = jax.random.normal(k3, (OUT,), dtype=jnp.float32) * 0.02
    return {"x": x, "embed_weight": embed_weight, "W": W, "b": b}

def reference(x, embed_weight, W, b):
    # x.t() -> [B, L]; embedding gather -> [B, L, V] (one-hot rows)
    x_embed = jnp.take(embed_weight, x.T, axis=0)
    # sum over sequence dim -> unigram count vector [B, V]
    x_flatten = jnp.sum(x_embed, axis=1)
    # linear -> [B, OUT]
    out = x_flatten @ W.T + b
    out = jax.nn.sigmoid(out)
    # torch nn.LogSoftmax() default on 2D input applies over dim=1
    return jax.nn.log_softmax(out, axis=1)

if __name__ == "__main__":
    import jax
    _d = setup_inputs()
    print(jax.jit(kernel)(*tuple(_d.values())))

</pallas_src>

<mosaic_0001>
#map = affine_map<(d0, d1) -> (0, 0)>
#map1 = affine_map<(d0, d1) -> (0)>
module attributes {stable_mosaic.version = 14 : i64} {
  func.func @k(%arg0: i32, %arg1: i32, %arg2: memref<50x1024xi32, #tpu.memory_space<hbm>>, %arg3: memref<2x1000xf32, #tpu.memory_space<hbm>>, %arg4: memref<32xf32, #tpu.memory_space<hbm>>, %arg5: memref<2x1024xf32, #tpu.memory_space<hbm>>, %arg6: memref<50x128xi32, #tpu.memory_space<vmem>>, %arg7: memref<1000xf32, #tpu.memory_space<vmem>>, %arg8: memref<1000xf32, #tpu.memory_space<vmem>>, %arg9: memref<32xf32, #tpu.memory_space<vmem>>, %arg10: memref<32xf32, #tpu.memory_space<vmem>>, %arg11: memref<32xf32, #tpu.memory_space<vmem>>, %arg12: memref<!tpu.dma_semaphore, #tpu.memory_space<semaphore_mem>>) attributes {dimension_semantics = [#tpu.dimension_semantics<core_parallel>, #tpu.dimension_semantics<subcore_parallel>], iteration_bounds = array<i64: 2, 16>, scalar_prefetch = 0 : i64, scratch_operands = 7 : i64, tpu.core_type = #tpu.core_type<sc_vector_subcore>, window_params = [{transform_indices = #map}, {transform_indices = #map}, {transform_indices = #map1}, {transform_indices = #map}]} {
    %mul3A = arith.constant 2 : i32
    %mul3A_0 = arith.muli %arg1, %mul3A : i32
    %add3A = arith.addi %mul3A_0, %arg0 : i32
    %mul3A_1 = arith.constant 32 : i32
    %mul3A_2 = arith.muli %add3A, %mul3A_1 : i32
    %jit3A = arith.constant 4 : i32
    %div3A = arith.divsi %add3A, %jit3A : i32
    %sign3A = arith.constant 0 : i32
    %sign3A_3 = arith.cmpi sgt, %add3A, %sign3A : i32
    %sign3A_4 = arith.extui %sign3A_3 : i1 to i32
    %sign3A_5 = arith.constant 0 : i32
    %sign3A_6 = arith.cmpi slt, %add3A, %sign3A_5 : i32
    %sign3A_7 = arith.extui %sign3A_6 : i1 to i32
    %sign3A_8 = arith.subi %sign3A_4, %sign3A_7 : i32
    %sign3A_9 = arith.constant 0 : i32
    %sign3A_10 = arith.cmpi sgt, %jit3A, %sign3A_9 : i32
    %sign3A_11 = arith.extui %sign3A_10 : i1 to i32
    %sign3A_12 = arith.constant 0 : i32
    %sign3A_13 = arith.cmpi slt, %jit3A, %sign3A_12 : i32
    %sign3A_14 = arith.extui %sign3A_13 : i1 to i32
    %sign3A_15 = arith.subi %sign3A_11, %sign3A_14 : i32
    %ne3A = arith.cmpi ne, %sign3A_8, %sign3A_15 : i32
    %rem3A = arith.remsi %add3A, %jit3A : i32
    %ne3A_16 = arith.constant 0 : i32
    %ne3A_17 = arith.cmpi ne, %rem3A, %ne3A_16 : i32
    %and3A = arith.andi %ne3A, %ne3A_17 : i1
    %sub3A = arith.constant 1 : i32
    %sub3A_18 = arith.subi %div3A, %sub3A : i32
    %select_n3A = arith.select %and3A, %sub3A_18, %div3A : i32
    %mul3A_19 = arith.constant 128 : i32
    %mul3A_20 = arith.muli %select_n3A, %mul3A_19 : i32
    %multiple_of3A = tpu.assume_multiple %mul3A_20, 128 : i32
    %dma_start3A = arith.constant 0 : i32
    %dma_start3A_21 = tpu.memref_slice %arg2[%dma_start3A, %multiple_of3A] : memref<50x1024xi32, #tpu.memory_space<hbm>> -> memref<50x128xi32, #tpu.memory_space<hbm>>
    %dma_start3A_22 = arith.constant 0 : i32
    %dma_start3A_23 = tpu.memref_slice %arg2[%dma_start3A_22, %multiple_of3A] : memref<50x1024xi32, #tpu.memory_space<hbm>> -> memref<50x128xi32, #tpu.memory_space<hbm>>
    tpu.enqueue_dma source(%dma_start3A_23 : memref<50x128xi32, #tpu.memory_space<hbm>>) target(%arg6 : memref<50x128xi32, #tpu.memory_space<vmem>>) target_semaphore(%arg12 : memref<!tpu.dma_semaphore, #tpu.memory_space<semaphore_mem>>)
    %dma_start3A_24 = arith.constant 0 : i32
    %dma_start3A_25 = arith.constant 0 : i32
    %dma_start3A_26 = tpu.memref_slice %arg3[%dma_start3A_24, %dma_start3A_25] : memref<2x1000xf32, #tpu.memory_space<hbm>> -> memref<1x1000xf32, #tpu.memory_space<hbm>>
    %dma_start3A_27 = tpu.memref_squeeze %dma_start3A_26 : memref<1x1000xf32, #tpu.memory_space<hbm>> -> memref<1000xf32, #tpu.memory_space<hbm>>
    %dma_start3A_28 = arith.constant 0 : i32
    %dma_start3A_29 = tpu.memref_slice %arg3[%dma_start3A_24, %dma_start3A_28] : memref<2x1000xf32, #tpu.memory_space<hbm>> -> memref<1x1000xf32, #tpu.memory_space<hbm>>
    %dma_start3A_30 = tpu.memref_squeeze %dma_start3A_29 : memref<1x1000xf32, #tpu.memory_space<hbm>> -> memref<1000xf32, #tpu.memory_space<hbm>>
    tpu.enqueue_dma source(%dma_start3A_30 : memref<1000xf32, #tpu.memory_space<hbm>>) target(%arg7 : memref<1000xf32, #tpu.memory_space<vmem>>) target_semaphore(%arg12 : memref<!tpu.dma_semaphore, #tpu.memory_space<semaphore_mem>>)
    %dma_start3A_31 = arith.constant 1 : i32
    %dma_start3A_32 = arith.constant 0 : i32
    %dma_start3A_33 = tpu.memref_slice %arg3[%dma_start3A_31, %dma_start3A_32] : memref<2x1000xf32, #tpu.memory_space<hbm>> -> memref<1x1000xf32, #tpu.memory_space<hbm>>
    %dma_start3A_34 = tpu.memref_squeeze %dma_start3A_33 : memref<1x1000xf32, #tpu.memory_space<hbm>> -> memref<1000xf32, #tpu.memory_space<hbm>>
    %dma_start3A_35 = arith.constant 0 : i32
    %dma_start3A_36 = tpu.memref_slice %arg3[%dma_start3A_31, %dma_start3A_35] : memref<2x1000xf32, #tpu.memory_space<hbm>> -> memref<1x1000xf32, #tpu.memory_space<hbm>>
    %dma_start3A_37 = tpu.memref_squeeze %dma_start3A_36 : memref<1x1000xf32, #tpu.memory_space<hbm>> -> memref<1000xf32, #tpu.memory_space<hbm>>
    tpu.enqueue_dma source(%dma_start3A_37 : memref<1000xf32, #tpu.memory_space<hbm>>) target(%arg8 : memref<1000xf32, #tpu.memory_space<vmem>>) target_semaphore(%arg12 : memref<!tpu.dma_semaphore, #tpu.memory_space<semaphore_mem>>)
    tpu.enqueue_dma source(%arg4 : memref<32xf32, #tpu.memory_space<hbm>>) target(%arg9 : memref<32xf32, #tpu.memory_space<vmem>>) target_semaphore(%arg12 : memref<!tpu.dma_semaphore, #tpu.memory_space<semaphore_mem>>)
    %dma_wait3A = arith.constant 0 : i32
    %dma_wait3A_38 = tpu.memref_slice %arg2[%dma_wait3A, %multiple_of3A] : memref<50x1024xi32, #tpu.memory_space<hbm>> -> memref<50x128xi32, #tpu.memory_space<hbm>>
    %dma_wait3A_39 = arith.constant 0 : i32
    %dma_wait3A_40 = tpu.memref_slice %arg2[%dma_wait3A_39, %multiple_of3A] : memref<50x1024xi32, #tpu.memory_space<hbm>> -> memref<50x128xi32, #tpu.memory_space<hbm>>
    tpu.wait_dma2 semaphore(%arg12 : memref<!tpu.dma_semaphore, #tpu.memory_space<semaphore_mem>>) src(%dma_wait3A_40 : memref<50x128xi32, #tpu.memory_space<hbm>>) dst(%arg6 : memref<50x128xi32, #tpu.memory_space<vmem>>)
    %dma_wait3A_41 = arith.constant 0 : i32
    %dma_wait3A_42 = arith.constant 0 : i32
    %dma_wait3A_43 = tpu.memref_slice %arg3[%dma_wait3A_41, %dma_wait3A_42] : memref<2x1000xf32, #tpu.memory_space<hbm>> -> memref<1x1000xf32, #tpu.memory_space<hbm>>
    %dma_wait3A_44 = tpu.memref_squeeze %dma_wait3A_43 : memref<1x1000xf32, #tpu.memory_space<hbm>> -> memref<1000xf32, #tpu.memory_space<hbm>>
    %dma_wait3A_45 = arith.constant 0 : i32
    %dma_wait3A_46 = tpu.memref_slice %arg3[%dma_wait3A_41, %dma_wait3A_45] : memref<2x1000xf32, #tpu.memory_space<hbm>> -> memref<1x1000xf32, #tpu.memory_space<hbm>>
    %dma_wait3A_47 = tpu.memref_squeeze %dma_wait3A_46 : memref<1x1000xf32, #tpu.memory_space<hbm>> -> memref<1000xf32, #tpu.memory_space<hbm>>
    tpu.wait_dma2 semaphore(%arg12 : memref<!tpu.dma_semaphore, #tpu.memory_space<semaphore_mem>>) src(%dma_wait3A_47 : memref<1000xf32, #tpu.memory_space<hbm>>) dst(%arg7 : memref<1000xf32, #tpu.memory_space<vmem>>)
    %dma_wait3A_48 = arith.constant 1 : i32
    %dma_wait3A_49 = arith.constant 0 : i32
    %dma_wait3A_50 = tpu.memref_slice %arg3[%dma_wait3A_48, %dma_wait3A_49] : memref<2x1000xf32, #tpu.memory_space<hbm>> -> memref<1x1000xf32, #tpu.memory_space<hbm>>
    %dma_wait3A_51 = tpu.memref_squeeze %dma_wait3A_50 : memref<1x1000xf32, #tpu.memory_space<hbm>> -> memref<1000xf32, #tpu.memory_space<hbm>>
    %dma_wait3A_52 = arith.constant 0 : i32
    %dma_wait3A_53 = tpu.memref_slice %arg3[%dma_wait3A_48, %dma_wait3A_52] : memref<2x1000xf32, #tpu.memory_space<hbm>> -> memref<1x1000xf32, #tpu.memory_space<hbm>>
    %dma_wait3A_54 = tpu.memref_squeeze %dma_wait3A_53 : memref<1x1000xf32, #tpu.memory_space<hbm>> -> memref<1000xf32, #tpu.memory_space<hbm>>
    tpu.wait_dma2 semaphore(%arg12 : memref<!tpu.dma_semaphore, #tpu.memory_space<semaphore_mem>>) src(%dma_wait3A_54 : memref<1000xf32, #tpu.memory_space<hbm>>) dst(%arg8 : memref<1000xf32, #tpu.memory_space<vmem>>)
    tpu.wait_dma2 semaphore(%arg12 : memref<!tpu.dma_semaphore, #tpu.memory_space<semaphore_mem>>) src(%arg4 : memref<32xf32, #tpu.memory_space<hbm>>) dst(%arg9 : memref<32xf32, #tpu.memory_space<vmem>>)
    %get3A = arith.constant 0 : index
    %get3A_55 = tpu.vector_load %arg9[%get3A] {strides = array<i32>} : memref<32xf32, #tpu.memory_space<vmem>>, vector<16xf32>,
    %get3A_56 = arith.constant 16 : index
    %get3A_57 = tpu.vector_load %arg9[%get3A_56] {strides = array<i32>} : memref<32xf32, #tpu.memory_space<vmem>>, vector<16xf32>,
    %jit3A_58 = arith.constant 4 : i32
    %eq3A = arith.constant 0 : i32
    %eq3A_59 = arith.cmpi eq, %jit3A_58, %eq3A : i32
    %jit3A_60 = arith.constant 1 : i32
    %select_n3A_61 = arith.select %eq3A_59, %jit3A_60, %jit3A_58 : i32
    %rem3A_62 = arith.remsi %add3A, %select_n3A_61 : i32
    %ne3A_63 = arith.constant 0 : i32
    %ne3A_64 = arith.cmpi ne, %rem3A_62, %ne3A_63 : i32
    %lt3A = arith.constant 0 : i32
    %lt3A_65 = arith.cmpi slt, %rem3A_62, %lt3A : i32
    %lt3A_66 = arith.constant 0 : i32
    %lt3A_67 = arith.cmpi slt, %select_n3A_61, %lt3A_66 : i32
    %ne3A_68 = arith.xori %lt3A_65, %lt3A_67 : i1
    %and3A_69 = arith.andi %ne3A_68, %ne3A_64 : i1
    %add3A_70 = arith.addi %rem3A_62, %select_n3A_61 : i32
    %select_n3A_71 = arith.select %and3A_69, %add3A_70, %rem3A_62 : i32
    %mul3A_72 = arith.constant 32 : i32
    %mul3A_73 = arith.muli %select_n3A_71, %mul3A_72 : i32
    %iota3A = tpu.iota {dimensions = array<i32: 0>} : vector<16xi32>
    %add3A_74 = vector.broadcast %mul3A_73 : i32 to vector<16xi32>
    %add3A_75 = arith.addi %add3A_74, %iota3A : vector<16xi32>
    %scan3A = arith.constant 0 : i32
    %scan3A_76 = arith.constant 10 : i32
    %scan3A_77 = arith.addi %scan3A, %scan3A_76 : i32
    %scan3A_78 = arith.constant 1 : i32
    %scan3A_79:4 = scf.for %scan3A_226 = %scan3A to %scan3A_77 step %scan3A_78 iter_args(%scan3A_227 = %get3A_55, %scan3A_228 = %get3A_57, %scan3A_229 = %get3A_55, %scan3A_230 = %get3A_57) -> (vector<16xf32>, vector<16xf32>, vector<16xf32>, vector<16xf32>)  : i32 {
      %mul3A_231 = arith.constant 5 : i32
      %mul3A_232 = arith.muli %scan3A_226, %mul3A_231 : i32
      %add3A_233 = arith.constant 0 : i32
      %add3A_234 = arith.addi %mul3A_232, %add3A_233 : i32
      %broadcast_in_dim3A = vector.broadcast %add3A_234 : i32 to vector<16xi32>
      %gather3A = tpu.vector_load_idx %arg6[%broadcast_in_dim3A, %add3A_75] : memref<50x128xi32, #tpu.memory_space<vmem>>[vector<16xi32>, vector<16xi32>], vector<16xi32>,
      %add3A_235 = arith.constant 16 : i32
      %add3A_236 = vector.broadcast %add3A_235 : i32 to vector<16xi32>
      %add3A_237 = arith.addi %add3A_75, %add3A_236 : vector<16xi32>
      %gather3A_238 = tpu.vector_load_idx %arg6[%broadcast_in_dim3A, %add3A_237] : memref<50x128xi32, #tpu.memory_space<vmem>>[vector<16xi32>, vector<16xi32>], vector<16xi32>,
      %gather3A_239 = tpu.vector_load_idx %arg7[%gather3A] : memref<1000xf32, #tpu.memory_space<vmem>>[vector<16xi32>], vector<16xf32>,
      %add3A_240 = arith.addf %scan3A_227, %gather3A_239 : vector<16xf32>
      %gather3A_241 = tpu.vector_load_idx %arg8[%gather3A] : memref<1000xf32, #tpu.memory_space<vmem>>[vector<16xi32>], vector<16xf32>,
      %add3A_242 = arith.addf %scan3A_228, %gather3A_241 : vector<16xf32>
      %gather3A_243 = tpu.vector_load_idx %arg7[%gather3A_238] : memref<1000xf32, #tpu.memory_space<vmem>>[vector<16xi32>], vector<16xf32>,
      %add3A_244 = arith.addf %scan3A_229, %gather3A_243 : vector<16xf32>
      %gather3A_245 = tpu.vector_load_idx %arg8[%gather3A_238] : memref<1000xf32, #tpu.memory_space<vmem>>[vector<16xi32>], vector<16xf32>,
      %add3A_246 = arith.addf %scan3A_230, %gather3A_245 : vector<16xf32>
      %mul3A_247 = arith.constant 5 : i32
      %mul3A_248 = arith.muli %scan3A_226, %mul3A_247 : i32
      %add3A_249 = arith.constant 1 : i32
      %add3A_250 = arith.addi %mul3A_248, %add3A_249 : i32
      %broadcast_in_dim3A_251 = vector.broadcast %add3A_250 : i32 to vector<16xi32>
      %gather3A_252 = tpu.vector_load_idx %arg6[%broadcast_in_dim3A_251, %add3A_75] : memref<50x128xi32, #tpu.memory_space<vmem>>[vector<16xi32>, vector<16xi32>], vector<16xi32>,
      %add3A_253 = arith.constant 16 : i32
      %add3A_254 = vector.broadcast %add3A_253 : i32 to vector<16xi32>
      %add3A_255 = arith.addi %add3A_75, %add3A_254 : vector<16xi32>
      %gather3A_256 = tpu.vector_load_idx %arg6[%broadcast_in_dim3A_251, %add3A_255] : memref<50x128xi32, #tpu.memory_space<vmem>>[vector<16xi32>, vector<16xi32>], vector<16xi32>,
      %gather3A_257 = tpu.vector_load_idx %arg7[%gather3A_252] : memref<1000xf32, #tpu.memory_space<vmem>>[vector<16xi32>], vector<16xf32>,
      %add3A_258 = arith.addf %add3A_240, %gather3A_257 : vector<16xf32>
      %gather3A_259 = tpu.vector_load_idx %arg8[%gather3A_252] : memref<1000xf32, #tpu.memory_space<vmem>>[vector<16xi32>], vector<16xf32>,
      %add3A_260 = arith.addf %add3A_242, %gather3A_259 : vector<16xf32>
      %gather3A_261 = tpu.vector_load_idx %arg7[%gather3A_256] : memref<1000xf32, #tpu.memory_space<vmem>>[vector<16xi32>], vector<16xf32>,
      %add3A_262 = arith.addf %add3A_244, %gather3A_261 : vector<16xf32>
      %gather3A_263 = tpu.vector_load_idx %arg8[%gather3A_256] : memref<1000xf32, #tpu.memory_space<vmem>>[vector<16xi32>], vector<16xf32>,
      %add3A_264 = arith.addf %add3A_246, %gather3A_263 : vector<16xf32>
      %mul3A_265 = arith.constant 5 : i32
      %mul3A_266 = arith.muli %scan3A_226, %mul3A_265 : i32
      %add3A_267 = arith.constant 2 : i32
      %add3A_268 = arith.addi %mul3A_266, %add3A_267 : i32
      %broadcast_in_dim3A_269 = vector.broadcast %add3A_268 : i32 to vector<16xi32>
      %gather3A_270 = tpu.vector_load_idx %arg6[%broadcast_in_dim3A_269, %add3A_75] : memref<50x128xi32, #tpu.memory_space<vmem>>[vector<16xi32>, vector<16xi32>], vector<16xi32>,
      %add3A_271 = arith.constant 16 : i32
      %add3A_272 = vector.broadcast %add3A_271 : i32 to vector<16xi32>
      %add3A_273 = arith.addi %add3A_75, %add3A_272 : vector<16xi32>
      %gather3A_274 = tpu.vector_load_idx %arg6[%broadcast_in_dim3A_269, %add3A_273] : memref<50x128xi32, #tpu.memory_space<vmem>>[vector<16xi32>, vector<16xi32>], vector<16xi32>,
      %gather3A_275 = tpu.vector_load_idx %arg7[%gather3A_270] : memref<1000xf32, #tpu.memory_space<vmem>>[vector<16xi32>], vector<16xf32>,
      %add3A_276 = arith.addf %add3A_258, %gather3A_275 : vector<16xf32>
      %gather3A_277 = tpu.vector_load_idx %arg8[%gather3A_270] : memref<1000xf32, #tpu.memory_space<vmem>>[vector<16xi32>], vector<16xf32>,
      %add3A_278 = arith.addf %add3A_260, %gather3A_277 : vector<16xf32>
      %gather3A_279 = tpu.vector_load_idx %arg7[%gather3A_274] : memref<1000xf32, #tpu.memory_space<vmem>>[vector<16xi32>], vector<16xf32>,
      %add3A_280 = arith.addf %add3A_262, %gather3A_279 : vector<16xf32>
      %gather3A_281 = tpu.vector_load_idx %arg8[%gather3A_274] : memref<1000xf32, #tpu.memory_space<vmem>>[vector<16xi32>], vector<16xf32>,
      %add3A_282 = arith.addf %add3A_264, %gather3A_281 : vector<16xf32>
      %mul3A_283 = arith.constant 5 : i32
      %mul3A_284 = arith.muli %scan3A_226, %mul3A_283 : i32
      %add3A_285 = arith.constant 3 : i32
      %add3A_286 = arith.addi %mul3A_284, %add3A_285 : i32
      %broadcast_in_dim3A_287 = vector.broadcast %add3A_286 : i32 to vector<16xi32>
      %gather3A_288 = tpu.vector_load_idx %arg6[%broadcast_in_dim3A_287, %add3A_75] : memref<50x128xi32, #tpu.memory_space<vmem>>[vector<16xi32>, vector<16xi32>], vector<16xi32>,
      %add3A_289 = arith.constant 16 : i32
      %add3A_290 = vector.broadcast %add3A_289 : i32 to vector<16xi32>
      %add3A_291 = arith.addi %add3A_75, %add3A_290 : vector<16xi32>
      %gather3A_292 = tpu.vector_load_idx %arg6[%broadcast_in_dim3A_287, %add3A_291] : memref<50x128xi32, #tpu.memory_space<vmem>>[vector<16xi32>, vector<16xi32>], vector<16xi32>,
      %gather3A_293 = tpu.vector_load_idx %arg7[%gather3A_288] : memref<1000xf32, #tpu.memory_space<vmem>>[vector<16xi32>], vector<16xf32>,
      %add3A_294 = arith.addf %add3A_276, %gather3A_293 : vector<16xf32>
      %gather3A_295 = tpu.vector_load_idx %arg8[%gather3A_288] : memref<1000xf32, #tpu.memory_space<vmem>>[vector<16xi32>], vector<16xf32>,
      %add3A_296 = arith.addf %add3A_278, %gather3A_295 : vector<16xf32>
      %gather3A_297 = tpu.vector_load_idx %arg7[%gather3A_292] : memref<1000xf32, #tpu.memory_space<vmem>>[vector<16xi32>], vector<16xf32>,
      %add3A_298 = arith.addf %add3A_280, %gather3A_297 : vector<16xf32>
      %gather3A_299 = tpu.vector_load_idx %arg8[%gather3A_292] : memref<1000xf32, #tpu.memory_space<vmem>>[vector<16xi32>], vector<16xf32>,
      %add3A_300 = arith.addf %add3A_282, %gather3A_299 : vector<16xf32>
      %mul3A_301 = arith.constant 5 : i32
      %mul3A_302 = arith.muli %scan3A_226, %mul3A_301 : i32
      %add3A_303 = arith.constant 4 : i32
      %add3A_304 = arith.addi %mul3A_302, %add3A_303 : i32
      %broadcast_in_dim3A_305 = vector.broadcast %add3A_304 : i32 to vector<16xi32>
      %gather3A_306 = tpu.vector_load_idx %arg6[%broadcast_in_dim3A_305, %add3A_75] : memref<50x128xi32, #tpu.memory_space<vmem>>[vector<16xi32>, vector<16xi32>], vector<16xi32>,
      %add3A_307 = arith.constant 16 : i32
      %add3A_308 = vector.broadcast %add3A_307 : i32 to vector<16xi32>
      %add3A_309 = arith.addi %add3A_75, %add3A_308 : vector<16xi32>
      %gather3A_310 = tpu.vector_load_idx %arg6[%broadcast_in_dim3A_305, %add3A_309] : memref<50x128xi32, #tpu.memory_space<vmem>>[vector<16xi32>, vector<16xi32>], vector<16xi32>,
      %gather3A_311 = tpu.vector_load_idx %arg7[%gather3A_306] : memref<1000xf32, #tpu.memory_space<vmem>>[vector<16xi32>], vector<16xf32>,
      %add3A_312 = arith.addf %add3A_294, %gather3A_311 : vector<16xf32>
      %gather3A_313 = tpu.vector_load_idx %arg8[%gather3A_306] : memref<1000xf32, #tpu.memory_space<vmem>>[vector<16xi32>], vector<16xf32>,
      %add3A_314 = arith.addf %add3A_296, %gather3A_313 : vector<16xf32>
      %gather3A_315 = tpu.vector_load_idx %arg7[%gather3A_310] : memref<1000xf32, #tpu.memory_space<vmem>>[vector<16xi32>], vector<16xf32>,
      %add3A_316 = arith.addf %add3A_298, %gather3A_315 : vector<16xf32>
      %gather3A_317 = tpu.vector_load_idx %arg8[%gather3A_310] : memref<1000xf32, #tpu.memory_space<vmem>>[vector<16xi32>], vector<16xf32>,
      %add3A_318 = arith.addf %add3A_300, %gather3A_317 : vector<16xf32>
      scf.yield %add3A_312, %add3A_314, %add3A_316, %add3A_318 : vector<16xf32>, vector<16xf32>, vector<16xf32>, vector<16xf32>
    }
    %scan3A_80 = arith.constant 10 : i32
    %neg3A = arith.constant 0.000000e+00 : f32
    %neg3A_81 = vector.broadcast %neg3A : f32 to vector<16xf32>
    %neg3A_82 = arith.subf %neg3A_81, %scan3A_79#0 : vector<16xf32>
    %exp3A = math.exp %neg3A_82 : vector<16xf32>
    %add3A_83 = arith.constant 1.000000e+00 : f32
    %add3A_84 = vector.broadcast %add3A_83 : f32 to vector<16xf32>
    %add3A_85 = arith.addf %add3A_84, %exp3A : vector<16xf32>
    %div3A_86 = arith.constant 1.000000e+00 : f32
    %div3A_87 = vector.broadcast %div3A_86 : f32 to vector<16xf32>
    %div3A_88 = arith.divf %div3A_87, %add3A_85 : vector<16xf32>
    %neg3A_89 = arith.constant 0.000000e+00 : f32
    %neg3A_90 = vector.broadcast %neg3A_89 : f32 to vector<16xf32>
    %neg3A_91 = arith.subf %neg3A_90, %scan3A_79#1 : vector<16xf32>
    %exp3A_92 = math.exp %neg3A_91 : vector<16xf32>
    %add3A_93 = arith.constant 1.000000e+00 : f32
    %add3A_94 = vector.broadcast %add3A_93 : f32 to vector<16xf32>
    %add3A_95 = arith.addf %add3A_94, %exp3A_92 : vector<16xf32>
    %div3A_96 = arith.constant 1.000000e+00 : f32
    %div3A_97 = vector.broadcast %div3A_96 : f32 to vector<16xf32>
    %div3A_98 = arith.divf %div3A_97, %add3A_95 : vector<16xf32>
    %sub3A_99 = arith.subf %div3A_98, %div3A_88 : vector<16xf32>
    %mul3A_100 = arith.constant 2.500000e-01 : f32
    %mul3A_101 = vector.broadcast %mul3A_100 : f32 to vector<16xf32>
    %mul3A_102 = arith.mulf %mul3A_101, %sub3A_99 : vector<16xf32>
    %mul3A_103 = arith.mulf %mul3A_102, %sub3A_99 : vector<16xf32>
    %mul3A_104 = arith.constant 5.000000e-01 : f32
    %mul3A_105 = vector.broadcast %mul3A_104 : f32 to vector<16xf32>
    %mul3A_106 = arith.mulf %mul3A_105, %sub3A_99 : vector<16xf32>
    %add3A_107 = arith.constant 0.693147182 : f32
    %add3A_108 = vector.broadcast %add3A_107 : f32 to vector<16xf32>
    %add3A_109 = arith.addf %mul3A_106, %add3A_108 : vector<16xf32>
    %mul3A_110 = arith.constant 0.0222222228 : f32
    %mul3A_111 = vector.broadcast %mul3A_110 : f32 to vector<16xf32>
    %mul3A_112 = arith.mulf %mul3A_103, %mul3A_111 : vector<16xf32>
    %add3A_113 = arith.constant -0.0833333358 : f32
    %add3A_114 = vector.broadcast %add3A_113 : f32 to vector<16xf32>
    %add3A_115 = arith.addf %add3A_114, %mul3A_112 : vector<16xf32>
    %mul3A_116 = arith.mulf %mul3A_103, %add3A_115 : vector<16xf32>
    %add3A_117 = arith.constant 5.000000e-01 : f32
    %add3A_118 = vector.broadcast %add3A_117 : f32 to vector<16xf32>
    %add3A_119 = arith.addf %add3A_118, %mul3A_116 : vector<16xf32>
    %mul3A_120 = arith.mulf %mul3A_103, %add3A_119 : vector<16xf32>
    %add3A_121 = arith.addf %add3A_109, %mul3A_120 : vector<16xf32>
    %exp3A_122 = math.exp %sub3A_99 : vector<16xf32>
    %add3A_123 = arith.constant 1.000000e+00 : f32
    %add3A_124 = vector.broadcast %add3A_123 : f32 to vector<16xf32>
    %add3A_125 = arith.addf %add3A_124, %exp3A_122 : vector<16xf32>
    %neg3A_126 = arith.constant 0.000000e+00 : f32
    %neg3A_127 = vector.broadcast %neg3A_126 : f32 to vector<16xf32>
    %neg3A_128 = arith.subf %neg3A_127, %add3A_121 : vector<16xf32>
    %exp3A_129 = math.exp %neg3A_128 : vector<16xf32>
    %mul3A_130 = arith.mulf %add3A_125, %exp3A_129 : vector<16xf32>
    %add3A_131 = arith.addf %add3A_121, %mul3A_130 : vector<16xf32>
    %sub3A_132 = arith.constant 1.000000e+00 : f32
    %sub3A_133 = vector.broadcast %sub3A_132 : f32 to vector<16xf32>
    %sub3A_134 = arith.subf %add3A_131, %sub3A_133 : vector<16xf32>
    %neg3A_135 = arith.constant 0.000000e+00 : f32
    %neg3A_136 = vector.broadcast %neg3A_135 : f32 to vector<16xf32>
    %neg3A_137 = arith.subf %neg3A_136, %sub3A_134 : vector<16xf32>
    %swap3A = arith.constant 0 : index
    %swap3A_138 = tpu.vector_load %arg10[%swap3A] {strides = array<i32>} : memref<32xf32, #tpu.memory_space<vmem>>, vector<16xf32>,
    tpu.vector_store %arg10[%swap3A], %neg3A_137 {strides = array<i32>} : memref<32xf32, #tpu.memory_space<vmem>>, vector<16xf32>,
    %sub3A_139 = arith.subf %sub3A_99, %sub3A_134 : vector<16xf32>
    %swap3A_140 = arith.constant 0 : index
    %swap3A_141 = tpu.vector_load %arg11[%swap3A_140] {strides = array<i32>} : memref<32xf32, #tpu.memory_space<vmem>>, vector<16xf32>,
    tpu.vector_store %arg11[%swap3A_140], %sub3A_139 {strides = array<i32>} : memref<32xf32, #tpu.memory_space<vmem>>, vector<16xf32>,
    %neg3A_142 = arith.constant 0.000000e+00 : f32
    %neg3A_143 = vector.broadcast %neg3A_142 : f32 to vector<16xf32>
    %neg3A_144 = arith.subf %neg3A_143, %scan3A_79#2 : vector<16xf32>
    %exp3A_145 = math.exp %neg3A_144 : vector<16xf32>
    %add3A_146 = arith.constant 1.000000e+00 : f32
    %add3A_147 = vector.broadcast %add3A_146 : f32 to vector<16xf32>
    %add3A_148 = arith.addf %add3A_147, %exp3A_145 : vector<16xf32>
    %div3A_149 = arith.constant 1.000000e+00 : f32
    %div3A_150 = vector.broadcast %div3A_149 : f32 to vector<16xf32>
    %div3A_151 = arith.divf %div3A_150, %add3A_148 : vector<16xf32>
    %neg3A_152 = arith.constant 0.000000e+00 : f32
    %neg3A_153 = vector.broadcast %neg3A_152 : f32 to vector<16xf32>
    %neg3A_154 = arith.subf %neg3A_153, %scan3A_79#3 : vector<16xf32>
    %exp3A_155 = math.exp %neg3A_154 : vector<16xf32>
    %add3A_156 = arith.constant 1.000000e+00 : f32
    %add3A_157 = vector.broadcast %add3A_156 : f32 to vector<16xf32>
    %add3A_158 = arith.addf %add3A_157, %exp3A_155 : vector<16xf32>
    %div3A_159 = arith.constant 1.000000e+00 : f32
    %div3A_160 = vector.broadcast %div3A_159 : f32 to vector<16xf32>
    %div3A_161 = arith.divf %div3A_160, %add3A_158 : vector<16xf32>
    %sub3A_162 = arith.subf %div3A_161, %div3A_151 : vector<16xf32>
    %mul3A_163 = arith.constant 2.500000e-01 : f32
    %mul3A_164 = vector.broadcast %mul3A_163 : f32 to vector<16xf32>
    %mul3A_165 = arith.mulf %mul3A_164, %sub3A_162 : vector<16xf32>
    %mul3A_166 = arith.mulf %mul3A_165, %sub3A_162 : vector<16xf32>
    %mul3A_167 = arith.constant 5.000000e-01 : f32
    %mul3A_168 = vector.broadcast %mul3A_167 : f32 to vector<16xf32>
    %mul3A_169 = arith.mulf %mul3A_168, %sub3A_162 : vector<16xf32>
    %add3A_170 = arith.constant 0.693147182 : f32
    %add3A_171 = vector.broadcast %add3A_170 : f32 to vector<16xf32>
    %add3A_172 = arith.addf %mul3A_169, %add3A_171 : vector<16xf32>
    %mul3A_173 = arith.constant 0.0222222228 : f32
    %mul3A_174 = vector.broadcast %mul3A_173 : f32 to vector<16xf32>
    %mul3A_175 = arith.mulf %mul3A_166, %mul3A_174 : vector<16xf32>
    %add3A_176 = arith.constant -0.0833333358 : f32
    %add3A_177 = vector.broadcast %add3A_176 : f32 to vector<16xf32>
    %add3A_178 = arith.addf %add3A_177, %mul3A_175 : vector<16xf32>
    %mul3A_179 = arith.mulf %mul3A_166, %add3A_178 : vector<16xf32>
    %add3A_180 = arith.constant 5.000000e-01 : f32
    %add3A_181 = vector.broadcast %add3A_180 : f32 to vector<16xf32>
    %add3A_182 = arith.addf %add3A_181, %mul3A_179 : vector<16xf32>
    %mul3A_183 = arith.mulf %mul3A_166, %add3A_182 : vector<16xf32>
    %add3A_184 = arith.addf %add3A_172, %mul3A_183 : vector<16xf32>
    %exp3A_185 = math.exp %sub3A_162 : vector<16xf32>
    %add3A_186 = arith.constant 1.000000e+00 : f32
    %add3A_187 = vector.broadcast %add3A_186 : f32 to vector<16xf32>
    %add3A_188 = arith.addf %add3A_187, %exp3A_185 : vector<16xf32>
    %neg3A_189 = arith.constant 0.000000e+00 : f32
    %neg3A_190 = vector.broadcast %neg3A_189 : f32 to vector<16xf32>
    %neg3A_191 = arith.subf %neg3A_190, %add3A_184 : vector<16xf32>
    %exp3A_192 = math.exp %neg3A_191 : vector<16xf32>
    %mul3A_193 = arith.mulf %add3A_188, %exp3A_192 : vector<16xf32>
    %add3A_194 = arith.addf %add3A_184, %mul3A_193 : vector<16xf32>
    %sub3A_195 = arith.constant 1.000000e+00 : f32
    %sub3A_196 = vector.broadcast %sub3A_195 : f32 to vector<16xf32>
    %sub3A_197 = arith.subf %add3A_194, %sub3A_196 : vector<16xf32>
    %neg3A_198 = arith.constant 0.000000e+00 : f32
    %neg3A_199 = vector.broadcast %neg3A_198 : f32 to vector<16xf32>
    %neg3A_200 = arith.subf %neg3A_199, %sub3A_197 : vector<16xf32>
    %swap3A_201 = arith.constant 16 : index
    %swap3A_202 = tpu.vector_load %arg10[%swap3A_201] {strides = array<i32>} : memref<32xf32, #tpu.memory_space<vmem>>, vector<16xf32>,
    tpu.vector_store %arg10[%swap3A_201], %neg3A_200 {strides = array<i32>} : memref<32xf32, #tpu.memory_space<vmem>>, vector<16xf32>,
    %sub3A_203 = arith.subf %sub3A_162, %sub3A_197 : vector<16xf32>
    %swap3A_204 = arith.constant 16 : index
    %swap3A_205 = tpu.vector_load %arg11[%swap3A_204] {strides = array<i32>} : memref<32xf32, #tpu.memory_space<vmem>>, vector<16xf32>,
    tpu.vector_store %arg11[%swap3A_204], %sub3A_203 {strides = array<i32>} : memref<32xf32, #tpu.memory_space<vmem>>, vector<16xf32>,
    %dma_start3A_206 = arith.constant 0 : i32
    %dma_start3A_207 = tpu.memref_slice %arg5[%dma_start3A_206, %mul3A_2] : memref<2x1024xf32, #tpu.memory_space<hbm>> -> memref<1x32xf32, #tpu.memory_space<hbm>>
    %dma_start3A_208 = tpu.memref_squeeze %dma_start3A_207 : memref<1x32xf32, #tpu.memory_space<hbm>> -> memref<32xf32, #tpu.memory_space<hbm>>
    %dma_start3A_209 = tpu.memref_slice %arg5[%dma_start3A_206, %mul3A_2] : memref<2x1024xf32, #tpu.memory_space<hbm>> -> memref<1x32xf32, #tpu.memory_space<hbm>>
    %dma_start3A_210 = tpu.memref_squeeze %dma_start3A_209 : memref<1x32xf32, #tpu.memory_space<hbm>> -> memref<32xf32, #tpu.memory_space<hbm>>
    tpu.enqueue_dma source(%arg10 : memref<32xf32, #tpu.memory_space<vmem>>) target(%dma_start3A_210 : memref<32xf32, #tpu.memory_space<hbm>>) target_semaphore(%arg12 : memref<!tpu.dma_semaphore, #tpu.memory_space<semaphore_mem>>)
    %dma_start3A_211 = arith.constant 1 : i32
    %dma_start3A_212 = tpu.memref_slice %arg5[%dma_start3A_211, %mul3A_2] : memref<2x1024xf32, #tpu.memory_space<hbm>> -> memref<1x32xf32, #tpu.memory_space<hbm>>
    %dma_start3A_213 = tpu.memref_squeeze %dma_start3A_212 : memref<1x32xf32, #tpu.memory_space<hbm>> -> memref<32xf32, #tpu.memory_space<hbm>>
    %dma_start3A_214 = tpu.memref_slice %arg5[%dma_start3A_211, %mul3A_2] : memref<2x1024xf32, #tpu.memory_space<hbm>> -> memref<1x32xf32, #tpu.memory_space<hbm>>
    %dma_start3A_215 = tpu.memref_squeeze %dma_start3A_214 : memref<1x32xf32, #tpu.memory_space<hbm>> -> memref<32xf32, #tpu.memory_space<hbm>>
    tpu.enqueue_dma source(%arg11 : memref<32xf32, #tpu.memory_space<vmem>>) target(%dma_start3A_215 : memref<32xf32, #tpu.memory_space<hbm>>) target_semaphore(%arg12 : memref<!tpu.dma_semaphore, #tpu.memory_space<semaphore_mem>>)
    %dma_wait3A_216 = arith.constant 0 : i32
    %dma_wait3A_217 = tpu.memref_slice %arg5[%dma_wait3A_216, %mul3A_2] : memref<2x1024xf32, #tpu.memory_space<hbm>> -> memref<1x32xf32, #tpu.memory_space<hbm>>
    %dma_wait3A_218 = tpu.memref_squeeze %dma_wait3A_217 : memref<1x32xf32, #tpu.memory_space<hbm>> -> memref<32xf32, #tpu.memory_space<hbm>>
    %dma_wait3A_219 = tpu.memref_slice %arg5[%dma_wait3A_216, %mul3A_2] : memref<2x1024xf32, #tpu.memory_space<hbm>> -> memref<1x32xf32, #tpu.memory_space<hbm>>
    %dma_wait3A_220 = tpu.memref_squeeze %dma_wait3A_219 : memref<1x32xf32, #tpu.memory_space<hbm>> -> memref<32xf32, #tpu.memory_space<hbm>>
    tpu.wait_dma2 semaphore(%arg12 : memref<!tpu.dma_semaphore, #tpu.memory_space<semaphore_mem>>) src(%arg10 : memref<32xf32, #tpu.memory_space<vmem>>) dst(%dma_wait3A_220 : memref<32xf32, #tpu.memory_space<hbm>>)
    %dma_wait3A_221 = arith.constant 1 : i32
    %dma_wait3A_222 = tpu.memref_slice %arg5[%dma_wait3A_221, %mul3A_2] : memref<2x1024xf32, #tpu.memory_space<hbm>> -> memref<1x32xf32, #tpu.memory_space<hbm>>
    %dma_wait3A_223 = tpu.memref_squeeze %dma_wait3A_222 : memref<1x32xf32, #tpu.memory_space<hbm>> -> memref<32xf32, #tpu.memory_space<hbm>>
    %dma_wait3A_224 = tpu.memref_slice %arg5[%dma_wait3A_221, %mul3A_2] : memref<2x1024xf32, #tpu.memory_space<hbm>> -> memref<1x32xf32, #tpu.memory_space<hbm>>
    %dma_wait3A_225 = tpu.memref_squeeze %dma_wait3A_224 : memref<1x32xf32, #tpu.memory_space<hbm>> -> memref<32xf32, #tpu.memory_space<hbm>>
    tpu.wait_dma2 semaphore(%arg12 : memref<!tpu.dma_semaphore, #tpu.memory_space<semaphore_mem>>) src(%arg11 : memref<32xf32, #tpu.memory_space<vmem>>) dst(%dma_wait3A_225 : memref<32xf32, #tpu.memory_space<hbm>>)
    return
  }
}

</mosaic_0001>

<sc_bundles>
// kernel: _sc_lr_unigram.3.cloned.1.call-start
scs
__scs_entry_jumppad:
0x0: {  	(pc) =	sbr.rel $0x88, $3  }
0x1: {  	(tag) =	ssettag $0x0;
	lr =	simm.s32 $0x1  }
0x2: {  	[smem:$0x3F9E] =	sst lr;
	_ =	strace $0xD0000000  }
0x3: {  	_ = 	snop  }
0x4: {  	_ = 	snop  }
0x5: {  	_ = 	snop  }
0x6: {  	_ = 	snop  }
0x7: {  	_ = 	snop  }
__scs_overlays_trampoline_lowered:
0x8: {  	[smem:$0x3FAD] =	sst s0  }
0x9: {  	[smem:$0x3FAE] =	sst s1  }
0xa: {  	[smem:$0x3FAF] =	sst s2  }
0xb: {  	[smem:$0x3FB0] =	sst s3  }
0xc: {  	[smem:$0x3FB1] =	sst s4  }
0xd: {  	[smem:$0x3FB2] =	sst s5  }
0xe: {  	[smem:$0x3FB3] =	sst s6  }
0xf: {  	[smem:$0x3FB4] =	sst s7  }
0x10: {  	[smem:$0x3FB5] =	sst s8  }
0x11: {  	[smem:$0x3FB6] =	sst s9;
	s0 =	simm.s32 @!p0 $0x0  }
0x12: {  	s1 =	sld [smem:$0x3F9C];
	s0 =	simm.s32 @p0 $0x1  }
0x13: {  	[smem:$0x3FB7] =	sst s0;
	s0 =	simm.s32 @!p1 $0x0  }
0x14: {  	s2 =	sld [smem:$0x3F9B];
	s0 =	simm.s32 @p1 $0x1  }
0x15: {  	[smem:$0x3FB8] =	sst s0;
	s0 =	simm.s32 @!p2 $0x0  }
0x16: {  	s3 =	sld [smem:$0x3FDB];
	s0 =	simm.s32 @p2 $0x1  }
0x17: {  	s4 =	simm.s32 $0x1BF5;
	[smem:$0x3FBA] =	sst s0  }
0x18: {  	s0 =	sld [smem:$0x3F9D];
	_ =	swait.ge [sflag:s4], $0x0  }
0x19: {  	s7 =	sld [smem:$0x3F9E]  }
0x1a: {  	s8 =	sadd.s32 $0xFFFFE003, lr  }
0x1b: {  	s9 =	sadd.s32 $0xFFFFFEF7, lr;
	s5 =	simm.s32 $0xFFFFFFFF;
	p2 =	slt.u32 s8, $0xFFFFF086  }
0x1c: {  	p1 =	slt.u32 s9, $0xF7A;
	s5 =	simm.s32 @!p2 $0x0  }
0x1d: {  	s5 =	simm.s32 @p1 $0x1;
	p0 =	seq.s32 s7, s2  }
0x1e: {  	s7 =	smul.u32 @!p0 $0xF7A, s2;
	p2 =	seq.s32 @!p0 s5, $0x0  }
0x1f: {  	s9 =	smul.u32 $0xF7A, s1;
	s8 =	simm.s32 @!p0 $0x1BF5;
	p2 =	por !p2, p0  }
0x20: {  	[sflag:s8] =	ssyncset.s32 @!p0 $0xFFFFF086;
	s6 =	sadd.s32 @!p0 s3, s7;
	s7 =	simm.s32 @!p0 $0x108  }
0x21: {  	s3 =	sadd.s32 s3, s9;
	s6 =	sadd.s32 @!p0 $0x88, s6;
	s7 =	simm.s32 @p2 $0x1082  }
0x22: {  	[simem:s7], [sflag:s8] =	dma.local @!p0 [hbm:s6], $0xF7A  }
0x23: {  	s9 =	sor.u32 $0xD0000000, s2;
	s6 =	simm.s32 $0x108;
	_ =	swait.ge @!p0 [sflag:s8], $0x0  }
0x24: {  	s3 =	sadd.s32 $0x88, s3;
	s6 =	simm.s32 @!p1 $0x1082;
	[sflag:s4] =	ssyncset.s32 $0xFFFFF086  }
0x25: {  	[simem:s6], [sflag:s4] =	dma.local [hbm:s3], $0xF7A  }
0x26: {  	[smem:$0x3F9E] =	sst s1;
	(tag) =	ssettag s2;
	_ =	strace s9  }
0x27: {  	s1 =	sld [smem:$0x3FAE]  }
0x28: {  	s2 =	sld [smem:$0x3FAF]  }
0x29: {  	s4 =	sld [smem:$0x3FB1]  }
0x2a: {  	p0 =	seq.s32 s5, $0x0;
	s5 =	sld [smem:$0x3FB2]  }
0x2b: {  	s6 =	sld [smem:$0x3FB3]  }
0x2c: {  	s7 =	sld [smem:$0x3FB4]  }
0x2d: {  	s3 =	simm.s32 $0x108;
	s8 =	sld [smem:$0x3FB5]  }
0x2e: {  	s3 =	simm.s32 @!p0 $0x1082;
	s9 =	sld [smem:$0x3FB6]  }
0x2f: {  	lr =	sadd.s32 s0, s3;
	s0 =	sld [smem:$0x3FAD]  }
0x30: {  	s3 =	sld [smem:$0x3FB0]  }
0x31: {  	[smem:$0x3FB9] =	sst s10  }
0x32: {  	s10 =	sld [smem:$0x3FB7];
	_ =	sdelay $0x3  }
0x33: {  	p0 =	seq.s32 s10, $0x1;
	s10 =	sld [smem:$0x3FB9];
	_ =	sdelay $0x3  }
0x34: {  	[smem:$0x3FB9] =	sst s10  }
0x35: {  	s10 =	sld [smem:$0x3FB8];
	_ =	sdelay $0x3  }
0x36: {  	p1 =	seq.s32 s10, $0x1;
	s10 =	sld [smem:$0x3FB9];
	_ =	sdelay $0x3  }
0x37: {  	[smem:$0x3FB9] =	sst s10  }
0x38: {  	s10 =	sld [smem:$0x3FBA]  }
0x39: {  	_ = 	snop;
	(pc) =	sbr.ind lr, $3  }
0x3a: {  	_ = 	snop  }
0x3b: {  	_ = 	snop  }
0x3c: {  	p2 =	seq.s32 s10, $0x1;
	s10 =	sld [smem:$0x3FB9]  }
0x3d: {  	_ =	shalt  }
0x3e: {  	_ =	shalt  }
0x3f: {  	_ =	shalt  }
0x40: {  	_ =	shalt  }
0x41: {  	_ =	shalt  }
0x42: {  	_ =	shalt  }
0x43: {  	_ =	shalt  }
0x44: {  	_ =	shalt  }
0x45: {  	_ =	shalt  }
0x46: {  	_ =	shalt  }
0x47: {  	_ =	shalt  }
0x48: {  	_ =	shalt  }
0x49: {  	_ =	shalt  }
0x4a: {  	_ =	shalt  }
0x4b: {  	_ =	shalt  }
0x4c: {  	_ =	shalt  }
0x4d: {  	_ =	shalt  }
0x4e: {  	_ =	shalt  }
0x4f: {  	_ =	shalt  }
0x50: {  	_ =	shalt  }
0x51: {  	_ =	shalt  }
0x52: {  	_ =	shalt  }
0x53: {  	_ =	shalt  }
0x54: {  	_ =	shalt  }
0x55: {  	_ =	shalt  }
0x56: {  	_ =	shalt  }
0x57: {  	_ =	shalt  }
0x58: {  	_ =	shalt  }
0x59: {  	_ =	shalt  }
0x5a: {  	_ =	shalt  }
0x5b: {  	_ =	shalt  }
0x5c: {  	_ =	shalt  }
0x5d: {  	_ =	shalt  }
0x5e: {  	_ =	shalt  }
0x5f: {  	_ =	shalt  }
0x60: {  	_ =	shalt  }
0x61: {  	_ =	shalt  }
0x62: {  	_ =	shalt  }
0x63: {  	_ =	shalt  }
0x64: {  	_ =	shalt  }
0x65: {  	_ =	shalt  }
0x66: {  	_ =	shalt  }
0x67: {  	_ =	shalt  }
0x68: {  	_ =	shalt  }
0x69: {  	_ =	shalt  }
0x6a: {  	_ =	shalt  }
0x6b: {  	_ =	shalt  }
0x6c: {  	_ =	shalt  }
0x6d: {  	_ =	shalt  }
0x6e: {  	_ =	shalt  }
0x6f: {  	_ =	shalt  }
0x70: {  	_ =	shalt  }
0x71: {  	_ =	shalt  }
0x72: {  	_ =	shalt  }
0x73: {  	_ =	shalt  }
0x74: {  	_ =	shalt  }
0x75: {  	_ =	shalt  }
0x76: {  	_ =	shalt  }
0x77: {  	_ =	shalt  }
0x78: {  	_ =	shalt  }
0x79: {  	_ =	shalt  }
0x7a: {  	_ =	shalt  }
0x7b: {  	_ =	shalt  }
0x7c: {  	_ =	shalt  }
0x7d: {  	_ =	shalt  }
0x7e: {  	_ =	shalt  }
0x7f: {  	_ =	shalt  }
0x80: {  	_ =	shalt  }
0x81: {  	_ =	shalt  }
0x82: {  	_ =	shalt  }
0x83: {  	_ =	shalt  }
0x84: {  	_ =	shalt  }
0x85: {  	_ =	shalt  }
0x86: {  	_ =	shalt  }
0x87: {  	_ =	shalt  }
.Lfunc_end0:
.L_simem_size_0:
called_computation_lowered:
.L_overlay_start_0:
0x88: {  	s2 =	sld [smem:$0x3FD9]  }
0x89: {  	s3 =	sld [smem:$0x3FFE];
	_ =	sdelay $0x1  }
0x8a: {  	s1 =	srdreg.scid  }
0x8b: {  	s0 =	sand.u32 $0x1, s1  }
0x8c: {  	s17 =	sshll.u32 s0, $0xA;
	s2 =	sadd.s32 s3, s2  }
0x8d: {  	s2 =	sadd.s32 s2, s17  }
0x8e: {  	[smem:$0x3FC5] =	sst s2  }
0x8f: {  	_ = 	snop  }
0x90: {  	s2 =	sld [smem:$0x3FC9]  }
0x91: {  	s18 =	sld [smem:$0x3FC8]  }
0x92: {  	s4 =	sld [smem:$0x3FD0];
	(tm) =	ssettm $0x1  }
0x93: {  	s5 =	sld [smem:$0x3FFB];
	_ =	sdelay $0x3  }
0x94: {  	_ =	strace s5  }
0x95: {  	s5 =	sld [smem:$0x3FFC];
	_ =	sdelay $0x3  }
0x96: {  	_ =	strace s5  }
0x97: {  	s5 =	sld [smem:$0x3FFD];
	_ =	sdelay $0x3  }
0x98: {  	_ =	strace s5  }
0x99: {  	_ =	strace $0x8FFFFFFF  }
0x9a: {  	s19 =	sld [smem:$0x3FDB];
	_ =	sdelay $0x1  }
0x9b: {  	s6 =	simm.s32 $_scs_section_size  }
0x9c: {  	s7 =	simm.s32 $_size__tile_overlayer_lowered;
	s8 =	simm.s32 $_tile_overlayer_lowered  }
0x9d: {  	s22 =	simm.s32 $0x1BFF;
	s21 =	sshll.u32 s8, $0x1;
	s5 =	sadd.s32 s6, s19  }
0x9e: {  	s9 =	simm.s32 $0x0;
	s20 =	sshll.u32 s7, $0x1;
	s7 =	sadd.s32 s21, s5  }
0x9f: {  	[timem:s9], [sflag:s22] =	dma.local [hbm:s7], s20  }
0xa0: {  	_ =	swait.ge [sflag:s22], s20  }
0xa1: {  	s6 =	ssub.s32 $0x0, s20;
	[sflag:s22] =	ssyncset.done $0x0  }
0xa2: {  	[sflag:s22] =	ssyncadd.s32 s6;
	_ =	sdelay $0x1  }
0xa3: {  	s23 =	simm.s32 $0x1B8B  }
0xa4: {  	_ =	swait.ge [sflag:s23], $0x1  }
0xa5: {  	[sflag:s23] =	ssyncset.done $0x0  }
0xa6: {  	s25 =	simm.s32 $0x1B8E;
	s24 =	sld [smem:$0x3FFE];
	[sflag:s23] =	ssyncadd.s32 $0xFFFFFFFF  }
0xa7: {  	s26 =	simm.s32 $execute0_lowered;
	[smem:$0x3FD2] =	sst s25  }
0xa8: {  	s7 =	sshll.u32 s26, $0x1;
	_ =	strace $0x80000046;
	[dreg:$0x1] =	wrdreg $0xFFFFFFFF  }
0xa9: {  	s28 =	simm.s32 $_size_execute0_lowered;
	s5 =	sadd.s32 s5, s7;
	[dreg:$0x0] =	wrdreg $0x0  }
0xaa: {  	s7 =	sshll.u32 s28, $0x1;
	[dreg:$0x2] =	wrdreg s5  }
0xab: {  	[dreg:$0x3] =	wrdreg s7  }
0xac: {  	[dreg:$0x4] =	wrdreg $0xC0  }
0xad: {  	_ =	task [dreg:s9], $0x5FFFF  }
0xae: {  	[dreg:$0x1] =	wrdreg $0xFFFFFFFF  }
0xaf: {  	[dreg:$0x0] =	wrdreg $0x60  }
0xb0: {  	[dreg:$0x2] =	wrdreg s2  }
0xb1: {  	[dreg:$0x3] =	wrdreg s18  }
0xb2: {  	[dreg:$0x4] =	wrdreg s24  }
0xb3: {  	[dreg:$0x5] =	wrdreg s4  }
0xb4: {  	[dreg:$0x6] =	wrdreg $0x9  }
0xb5: {  	_ =	task.clear_ibuf [dreg:s9], $0x7FFFF;
	_ =	strace $0x90000046  }
0xb6: {  	s29 =	simm.s32 $0x9;
	_ =	strace $0x80000048  }
0xb7: {  	_ =	swait.ge [sflag:s29], $0x1  }
0xb8: {  	[sflag:s29] =	ssyncadd.s32 $0xFFFFFFFF  }
0xb9: {  	_ =	strace $0x90000048  }
0xba: {  	_ =	sfence  }
0xbb: {  	s30 =	sld [smem:$0x0];
	_ =	sdelay $0x2  }
0xbc: {  	s31 =	sshll.u32 s1, $0xD;
	s1 =	sshrl.u32 s1, $0x2  }
0xbd: {  	s3 =	sand.u32 $0x4000, s31;
	s1 =	sadd.s32 s1, s30  }
0xbe: {  	s0 =	sor.u32 s3, s0;
	s1 =	sshll.u32 s1, $0x11  }
0xbf: {  	s0 =	sor.u32 s1, s0  }
0xc0: {  	s0 =	sadd.s32 $0x8F2B, s0  }
0xc1: {  	[sflag:s0] =	ssyncadd.remote.s32 $0x1  }
0xc2: {  	_ =	sfence.sel $0xFFFF  }
0xc3: {  	[dreg:$0x0] =	wrdreg $0xFFFFFFFF;
	(pc) =	sbr.abs _section_cstart, $3  }
0xc4: {  	[dreg:$0x1] =	wrdreg $0xFFFFFFFF  }
0xc5: {  	_ =	task.clear_ibuf [dreg:s9], $0x2FFFF;
	_ =	strace $0x9FFFFFFF  }
0xc6: {  	(tm) =	ssettm $0x7FFFFFFF  }
0xc7: {  	_ =	shalt  }
tec
execute0_lowered:
.L_overlay_start_1:
0x0: {  	(tag) =	ssettag $0x1  }
0x1: {  	s5 =	rddreg [dreg:$0x0]  }
0x2: {  	s1 =	rddreg [dreg:$0x1]  }
0x3: {  	s4 =	rddreg [dreg:$0x2]  }
0x4: {  	s6 =	rddreg [dreg:$0x3]  }
0x5: {  	s0 =	rddreg [dreg:$0x4]  }
0x6: {  	s3 =	simm.s32 $0x0;
	s7 =	srdreg.scid;
	s2 =	stileid.u32  }
0x7: {  	s12 =	simm.s32 $0x2000;
	s13 =	simm.s32 $0x1800;
	s14 =	simm.s32 $0x80  }
0x8: {  	s15 =	simm.s32 $0x100;
	s16 =	simm.s32 $0x1C00;
	s17 =	simm.s32 $0x2400  }
0x9: {  	s18 =	simm.s32 $0x1;
	s20 =	simm.s32 $0x2500;
	s21 =	simm.s32 $0x0  }
0xa: {  	[smem:$0x7FF] =	sst s3;
	s7 =	sand.u32 $0x1, s7;
	s8 =	sshll.u32 s2, $0x6  }
0xb: {  	s11 =	sshll.u32 s2, $0x7;
	s4 =	sadd.s32 $0x600, s4;
	s9 =	sshll.u32 s7, $0x5  }
0xc: {  	s10 =	sand.u32 $0x40, s8;
	_ =	strace $0x80000047;
	s30 =	sand.u32 $0x700, s11  }
0xd: {  	s7 =	ssub.s32 $0x2, s7;
	s8 =	sand.u32 $0x380, s8;
	s19 =	sor.u32 s9, s10  }
0xe: {  	s11 =	simm.s32 $0x400;
	s31 =	sshrl.u32 s7, $0x1;
	s9 =	sor.u32 s30, s19  }
0xf: {  	v0 =	vlaneseq.u32;
	s5 =	sadd.s32 s5, s8;
	s8 =	sadd.s32 $0x10, s1;
	s9 =	sshrl.u32 s9, $0x3  }
0x10: {  	v1 =	vor.u32 $0x10, v0;
	s10 =	ssub.s32 s7, s31;
	s7 =	sadd.s32 $0x1800, s5;
	s6 =	sadd.s32 s6, s9  }
0x11: {  	v0 =	vor.u32 s19, v0;
	v1 =	vor.u32 s19, v1;
	s19 =	simm.s32 $0x2480;
	s10 =	smax.u32 s10, $0x1;
	s9 =	sadd.s32 $0x10, s6  }
.LBB2_1:
0x12: {  	[tilespmem:s3], [sflag:$0x1] =	stream.strided.gather [hbm4b:s5+s11], $0x1800, s12, s11, $0x38;
	[tilespmem:$0x2580] =	vst v63  }
0x13: {  	_ = 	snop  }
0x14: {  	[tilespmem:s13], [sflag:$0x1] =	stream.linear.gather [hbm4b:s7+s3], $0x100, $0x38;
	[tilespmem:$0x2580] =	vst v63  }
0x15: {  	_ = 	snop  }
0x16: {  	[tilespmem:s16], [sflag:$0x1] =	stream.strided.gather [hbm4b:s1+s14], $0x400, s15, s14, $0x38;
	[tilespmem:$0x2580] =	vst v63  }
0x17: {  	_ = 	snop  }
0x18: {  	[tilespmem:s12], [sflag:$0x1] =	stream.strided.gather [hbm4b:s8+s14], $0x400, s15, s14, $0x38;
	[tilespmem:$0x2580] =	vst v63  }
0x19: {  	_ = 	snop  }
0x1a: {  	[tilespmem:s17], [sflag:$0x1] =	stream.linear.gather [hbm4b:s4+s3], $0x80, $0x38;
	[tilespmem:$0x2580] =	vst v63  }
0x1b: {  	_ =	swait.ge [sflag:s18], $0x1900  }
0x1c: {  	[sflag:s18] =	ssyncset.done $0x0  }
0x1d: {  	[sflag:s18] =	ssyncadd.s32 $0xFFFFE700  }
0x1e: {  	_ =	swait.ge [sflag:s18], $0x400  }
0x1f: {  	[sflag:s18] =	ssyncset.done $0x0  }
0x20: {  	[sflag:s18] =	ssyncadd.s32 $0xFFFFFC00  }
0x21: {  	_ =	swait.ge [sflag:s18], $0x400  }
0x22: {  	[sflag:s18] =	ssyncset.done $0x0  }
0x23: {  	s22 =	simm.s32 $0x200;
	[sflag:s18] =	ssyncadd.s32 $0xFFFFFC00  }
0x24: {  	v2 =	vor.u32 s22, v0;
	_ =	swait.ge [sflag:s18], $0x80  }
0x25: {  	s23 =	simm.s32 $0x180;
	v3 =	vor.u32 s22, v1;
	[sflag:s18] =	ssyncset.done $0x0  }
0x26: {  	s29 =	simm.s32 $0x100;
	v5 =	vor.u32 s23, v1;
	[sflag:s18] =	ssyncadd.s32 $0xFFFFFF80  }
0x27: {  	v10 =	vor.u32 s29, v1;
	v8 =	vld [tilespmem:$0x2400]  }
0x28: {  	v7 =	vld [tilespmem:$0x2410]  }
0x29: {  	v4 =	vor.u32 s23, v0;
	v9 =	vld.idx.msk [tilespmem:v2+s3+$0x0], $0xffff  }
0x2a: {  	s30 =	simm.s32 $0x80;
	v6 =	vor.u32 s29, v0;
	v2 =	vld.idx.msk [tilespmem:v3+s3+$0x0], $0xffff  }
0x2b: {  	v14 =	vor.u32 s30, v0;
	v3 =	vld.idx.msk [tilespmem:v5+s3+$0x0], $0xffff  }
0x2c: {  	s31 =	simm.s32 $0x0;
	v5 =	vld.idx.msk [tilespmem:v10+s3+$0x0], $0xffff;
	v10 =	vor.u32 s30, v1  }
0x2d: {  	v15 =	vor.u32 s31, v0  }
0x2e: {  	v12 =	vor.u32 s31, v1;
	v11 =	vld.idx.msk [tilespmem:v4+s3+$0x0], $0xffff  }
0x2f: {  	v13 =	vld.idx.msk [tilespmem:v6+s3+$0x0], $0xffff  }
0x30: {  	s22 =	simm.s32 $0x9;
	v14 =	vld.idx.msk [tilespmem:v14+s3+$0x0], $0xffff;
	v6 =	vmov v8;
	v4 =	vmov v7  }
.LBB2_2:
0x31: {  	p0 =	sne.s32 s22, $0x31;
	v10 =	vld.idx.msk [tilespmem:v10+s3+$0x0], $0xffff  }
0x32: {  	v15 =	vld.idx.msk [tilespmem:v15+s3+$0x0], $0xffff  }
0x33: {  	v12 =	vld.idx.msk [tilespmem:v12+s3+$0x0], $0xffff  }
0x34: {  	v16 =	vld.idx.msk [tilespmem:v9+s16+$0x0], $0xffff  }
0x35: {  	v17 =	vld.idx.msk [tilespmem:v9+s12+$0x0], $0xffff  }
0x36: {  	v18 =	vld.idx.msk [tilespmem:v11+s16+$0x0], $0xffff  }
0x37: {  	v19 =	vld.idx.msk [tilespmem:v11+s12+$0x0], $0xffff  }
0x38: {  	v11 =	vld.idx.msk [tilespmem:v13+s16+$0x0], $0xffff  }
0x39: {  	v13 =	vld.idx.msk [tilespmem:v13+s12+$0x0], $0xffff  }
0x3a: {  	v9 =	vld.idx.msk [tilespmem:v14+s16+$0x0], $0xffff  }
0x3b: {  	v14 =	vld.idx.msk [tilespmem:v14+s12+$0x0], $0xffff  }
0x3c: {  	v20 =	vld.idx.msk [tilespmem:v15+s16+$0x0], $0xffff  }
0x3d: {  	v15 =	vld.idx.msk [tilespmem:v15+s12+$0x0], $0xffff  }
0x3e: {  	v21 =	vld.idx.msk [tilespmem:v12+s16+$0x0], $0xffff  }
0x3f: {  	v12 =	vld.idx.msk [tilespmem:v12+s12+$0x0], $0xffff  }
0x40: {  	v22 =	vld.idx.msk [tilespmem:v10+s16+$0x0], $0xffff  }
0x41: {  	v10 =	vld.idx.msk [tilespmem:v10+s12+$0x0], $0xffff  }
0x42: {  	s23 =	sshll.u32 s22, $0x7;
	v23 =	vld.idx.msk [tilespmem:v5+s16+$0x0], $0xffff  }
0x43: {  	v24 =	vor.u32 s23, v0;
	v5 =	vld.idx.msk [tilespmem:v5+s12+$0x0], $0xffff  }
0x44: {  	s24 =	sadd.s32 $0xFFFFFF80, s23;
	v25 =	vor.u32 s23, v1;
	v8 =	vadd.f32 v20, v8;
	v7 =	vadd.f32 v15, v7;
	v20 =	vld.idx.msk [tilespmem:v3+s16+$0x0], $0xffff  }
0x45: {  	v15 =	vor.u32 s24, v0;
	v6 =	vadd.f32 v21, v6;
	v4 =	vadd.f32 v12, v4;
	v12 =	vld.idx.msk [tilespmem:v3+s12+$0x0], $0xffff  }
0x46: {  	s25 =	sadd.s32 $0xFFFFFF00, s23;
	v8 =	vadd.f32 v9, v8;
	v7 =	vadd.f32 v14, v7;
	v3 =	vor.u32 s24, v1;
	v14 =	vld.idx.msk [tilespmem:v2+s16+$0x0], $0xffff  }
0x47: {  	v21 =	vor.u32 s25, v0;
	v6 =	vadd.f32 v22, v6;
	v4 =	vadd.f32 v10, v4;
	v22 =	vld.idx.msk [tilespmem:v2+s12+$0x0], $0xffff  }
0x48: {  	v26 =	vor.u32 s25, v1;
	s24 =	sadd.s32 $0xFFFFFE80, s23;
	v8 =	vadd.f32 v11, v8;
	v7 =	vadd.f32 v13, v7;
	v9 =	vld.idx.msk [tilespmem:v24+s3+$0x0], $0xffff  }
0x49: {  	v6 =	vadd.f32 v23, v6;
	v24 =	vor.u32 s24, v0;
	v4 =	vadd.f32 v5, v4;
	v2 =	vld.idx.msk [tilespmem:v25+s3+$0x0], $0xffff  }
.Ltmp0:
0x4a: {  	s23 =	sadd.s32 $0xFFFFFE00, s23;
	v10 =	vor.u32 s24, v1;
	v5 =	vadd.f32 v18, v8;
	v7 =	vadd.f32 v19, v7;
	v11 =	vld.idx.msk [tilespmem:v15+s3+$0x0], $0xffff;
	(pc) =	sbr.rel @p0 .LBB2_2-.Ltmp0, $4  }
0x4b: {  	v6 =	vadd.f32 v20, v6;
	v15 =	vor.u32 s23, v0;
	v4 =	vadd.f32 v12, v4;
	v3 =	vld.idx.msk [tilespmem:v3+s3+$0x0], $0xffff  }
0x4c: {  	v12 =	vor.u32 s23, v1;
	v8 =	vadd.f32 v16, v5;
	v7 =	vadd.f32 v17, v7;
	v13 =	vld.idx.msk [tilespmem:v21+s3+$0x0], $0xffff  }
0x4d: {  	v6 =	vadd.f32 v14, v6;
	v4 =	vadd.f32 v22, v4;
	v5 =	vld.idx.msk [tilespmem:v26+s3+$0x0], $0xffff  }
0x4e: {  	s22 =	sadd.s32 $0x5, s22;
	v14 =	vld.idx.msk [tilespmem:v24+s3+$0x0], $0xffff  }
0x4f: {  	_ =	sdelay $0x3  }
0x50: {  	v15 =	vld.idx.msk [tilespmem:v15+s3+$0x0], $0xffff;
	_ =	sdelay $0x7  }
0x51: {  	v16 =	vld.idx.msk [tilespmem:v15+s16+$0x0], $0xffff;
	_ =	sdelay $0x1  }
0x52: {  	v17 =	vld.idx.msk [tilespmem:v14+s16+$0x0], $0xffff;
	_ =	sdelay $0x1  }
0x53: {  	v18 =	vld.idx.msk [tilespmem:v13+s16+$0x0], $0xffff  }
0x54: {  	v8 =	vadd.f32 v16, v8  }
0x55: {  	v29 =	vld.idx.msk [tilespmem:v11+s16+$0x0], $0xffff  }
0x56: {  	v8 =	vadd.f32 v17, v8  }
0x57: {  	v30 =	vld.idx.msk [tilespmem:v9+s16+$0x0], $0xffff  }
0x58: {  	v8 =	vadd.f32 v18, v8;
	_ =	sdelay $0x1  }
0x59: {  	v8 =	vadd.f32 v29, v8;
	_ =	sdelay $0x1  }
0x5a: {  	v15 =	vld.idx.msk [tilespmem:v15+s12+$0x0], $0xffff;
	v8 =	vadd.f32 v30, v8;
	_ =	sdelay $0x1  }
0x5b: {  	v31 =	vld.idx.msk [tilespmem:v14+s12+$0x0], $0xffff;
	v8 =	vsub.f32 $0.0e+00, v8;
	_ =	sdelay $0x1  }
0x5c: {  	v32 =	vld.idx.msk [tilespmem:v13+s12+$0x0], $0xffff;
	v8 =	vmul.f32 $1.442695020e+00, v8  }
0x5d: {  	v7 =	vadd.f32 v15, v7  }
0x5e: {  	v33 =	vld.idx.msk [tilespmem:v11+s12+$0x0], $0xffff;
	(erf) = vpow2.f32 v8  }
0x5f: {  	v7 =	vadd.f32 v31, v7  }
0x60: {  	v34 =	vld.idx.msk [tilespmem:v9+s12+$0x0], $0xffff  }
0x61: {  	v7 =	vadd.f32 v32, v7;
	_ =	sdelay $0x1  }
0x62: {  	v7 =	vadd.f32 v33, v7;
	_ =	sdelay $0x1  }
0x63: {  	v7 =	vadd.f32 v34, v7;
	_ =	sdelay $0x1  }
0x64: {  	v7 =	vsub.f32 $0.0e+00, v7;
	v35 =	vpop (erf)  }
0x65: {  	v8 =	vadd.f32 $1.000000000e+00, v35  }
0x66: {  	v7 =	vmul.f32 $1.442695020e+00, v7  }
0x67: {  	(erf) = vrcp.f32 v8  }
0x68: {  	(erf) = vpow2.f32 v7;
	_ =	sdelay $0x7  }
0x69: {  	v36 =	vpop (erf)  }
0x6a: {  	v37 =	vpop (erf)  }
0x6b: {  	v8 =	vadd.f32 $1.000000000e+00, v37;
	_ =	sdelay $0x1  }
0x6c: {  	(erf) = vrcp.f32 v8;
	_ =	sdelay $0x5  }
0x6d: {  	v38 =	vld.idx.msk [tilespmem:v12+s3+$0x0], $0xffff;
	_ =	sdelay $0x1  }
0x6e: {  	v39 =	vld.idx.msk [tilespmem:v10+s3+$0x0], $0xffff  }
0x6f: {  	v40 =	vpop (erf)  }
0x70: {  	v7 =	vsub.f32 v40, v36;
	_ =	sdelay $0x1  }
0x71: {  	v10 =	vmul.f32 $2.500000000e-01, v7;
	_ =	sdelay $0x1  }
0x72: {  	v41 =	vld.idx.msk [tilespmem:v38+s16+$0x0], $0xffff;
	v10 =	vmul.f32 v10, v7;
	_ =	sdelay $0x1  }
0x73: {  	v42 =	vld.idx.msk [tilespmem:v39+s16+$0x0], $0xffff;
	v43 =	vmul.f32 $2.222222280e-02, v10;
	_ =	sdelay $0x1  }
0x74: {  	v44 =	vld.idx.msk [tilespmem:v5+s16+$0x0], $0xffff;
	v13 =	vadd.f32 $-8.333333580e-02, v43  }
0x75: {  	v6 =	vadd.f32 v41, v6  }
0x76: {  	v45 =	vld.idx.msk [tilespmem:v3+s16+$0x0], $0xffff;
	v13 =	vmul.f32 v13, v10  }
0x77: {  	v6 =	vadd.f32 v42, v6  }
0x78: {  	v46 =	vld.idx.msk [tilespmem:v2+s16+$0x0], $0xffff;
	v47 =	vmul.f32 $5.000000000e-01, v7;
	v13 =	vadd.f32 $5.000000000e-01, v13  }
0x79: {  	v6 =	vadd.f32 v44, v6  }
0x7a: {  	v48 =	vadd.f32 $6.931471820e-01, v47;
	v10 =	vmul.f32 v13, v10  }
0x7b: {  	v6 =	vadd.f32 v45, v6  }
0x7c: {  	v8 =	vld.idx.msk [tilespmem:v38+s12+$0x0], $0xffff;
	v10 =	vadd.f32 v10, v48  }
0x7d: {  	v6 =	vadd.f32 v46, v6  }
0x7e: {  	v9 =	vld.idx.msk [tilespmem:v39+s12+$0x0], $0xffff;
	v49 =	vsub.f32 $0.0e+00, v10  }
0x7f: {  	v6 =	vsub.f32 $0.0e+00, v6;
	v50 =	vmul.f32 $1.442695020e+00, v7  }
0x80: {  	v51 =	vld.idx.msk [tilespmem:v5+s12+$0x0], $0xffff;
	v11 =	vmul.f32 $1.442695020e+00, v49  }
0x81: {  	v6 =	vmul.f32 $1.442695020e+00, v6;
	v4 =	vadd.f32 v8, v4;
	(erf) = vpow2.f32 v50  }
0x82: {  	v3 =	vld.idx.msk [tilespmem:v3+s12+$0x0], $0xffff;
	(erf) = vpow2.f32 v11  }
0x83: {  	v4 =	vadd.f32 v9, v4;
	(erf) = vpow2.f32 v6;
	_ =	sdelay $0x1  }
0x84: {  	v2 =	vld.idx.msk [tilespmem:v2+s12+$0x0], $0xffff;
	v4 =	vadd.f32 v51, v4;
	_ =	sdelay $0x1  }
0x85: {  	v3 =	vadd.f32 v3, v4;
	_ =	sdelay $0x2  }
0x86: {  	v2 =	vadd.f32 v2, v3;
	v52 =	vpop (erf)  }
0x87: {  	v3 =	vpop (erf)  }
0x88: {  	v2 =	vsub.f32 $0.0e+00, v2;
	v53 =	vpop (erf)  }
0x89: {  	v5 =	vadd.f32 $1.000000000e+00, v53  }
0x8a: {  	v2 =	vmul.f32 $1.442695020e+00, v2  }
0x8b: {  	(erf) = vrcp.f32 v5  }
0x8c: {  	(erf) = vpow2.f32 v2;
	_ =	sdelay $0x7  }
0x8d: {  	v2 =	vpop (erf)  }
0x8e: {  	v54 =	vpop (erf)  }
0x8f: {  	v5 =	vadd.f32 $1.000000000e+00, v54;
	_ =	sdelay $0x1  }
0x90: {  	(erf) = vrcp.f32 v5;
	_ =	sdelay $0x8  }
0x91: {  	v5 =	vpop (erf)  }
0x92: {  	v2 =	vsub.f32 v5, v2;
	_ =	sdelay $0x1  }
0x93: {  	v5 =	vmul.f32 $2.500000000e-01, v2;
	_ =	sdelay $0x1  }
0x94: {  	v5 =	vmul.f32 v5, v2;
	_ =	sdelay $0x1  }
0x95: {  	v55 =	vmul.f32 $2.222222280e-02, v5;
	_ =	sdelay $0x1  }
0x96: {  	v6 =	vadd.f32 $-8.333333580e-02, v55;
	_ =	sdelay $0x1  }
0x97: {  	v6 =	vmul.f32 v6, v5;
	_ =	sdelay $0x1  }
0x98: {  	v56 =	vmul.f32 $5.000000000e-01, v2;
	v6 =	vadd.f32 $5.000000000e-01, v6;
	_ =	sdelay $0x1  }
0x99: {  	v8 =	vadd.f32 $6.931471820e-01, v56;
	v5 =	vmul.f32 v6, v5;
	_ =	sdelay $0x1  }
0x9a: {  	v5 =	vadd.f32 v5, v8;
	_ =	sdelay $0x1  }
0x9b: {  	v57 =	vmul.f32 $1.442695020e+00, v2;
	v8 =	vsub.f32 $0.0e+00, v5;
	_ =	sdelay $0x1  }
0x9c: {  	(erf) = vpow2.f32 v57;
	v58 =	vmul.f32 $1.442695020e+00, v8;
	_ =	sdelay $0x1  }
0x9d: {  	(erf) = vpow2.f32 v58;
	_ =	sdelay $0x5  }
0x9e: {  	v4 =	vadd.f32 $1.000000000e+00, v52  }
0x9f: {  	v59 =	vpop (erf)  }
0xa0: {  	v3 =	vmul.f32 v3, v4;
	v60 =	vadd.f32 $1.000000000e+00, v59  }
0xa1: {  	v61 =	vpop (erf)  }
0xa2: {  	v3 =	vadd.f32 v3, v10;
	v4 =	vmul.f32 v61, v60;
	_ =	sdelay $0x1  }
0xa3: {  	v3 =	vadd.f32 $-1.000000000e+00, v3;
	v4 =	vadd.f32 v4, v5;
	_ =	sdelay $0x1  }
0xa4: {  	v62 =	vsub.f32 $0.0e+00, v3;
	v4 =	vadd.f32 $-1.000000000e+00, v4  }
0xa5: {  	v3 =	vsub.f32 v7, v3  }
0xa6: {  	[tilespmem:$0x2480] =	vst v62;
	v63 =	vsub.f32 $0.0e+00, v4  }
0xa7: {  	[tilespmem:$0x2500] =	vst v3;
	v2 =	vsub.f32 v2, v4  }
0xa8: {  	[tilespmem:$0x2490] =	vst v63  }
0xa9: {  	[tilespmem:$0x2510] =	vst v2  }
0xaa: {  	[hbm4b:s6+s3] =	stream.linear.scatter [tilespmem:s19], [sflag:$0x1], $0x20, $0x38;
	[tilespmem:$0x2580] =	vst v63  }
0xab: {  	s21 =	sadd.s32 $0x1, s21  }
0xac: {  	[hbm4b:s9+s3] =	stream.linear.scatter [tilespmem:s20], [sflag:$0x1], $0x20, $0x38;
	[tilespmem:$0x2580] =	vst v63  }
0xad: {  	p0 =	sne.s32 s21, s10;
	_ =	swait.ge [sflag:s18], $0x20  }
.Ltmp1:
0xae: {  	[sflag:s18] =	ssyncset.done $0x0;
	(pc) =	sbr.rel @p0 .LBB2_1-.Ltmp1, $4  }
0xaf: {  	[sflag:s18] =	ssyncadd.s32 $0xFFFFFFE0  }
0xb0: {  	_ =	swait.ge [sflag:s18], $0x20  }
0xb1: {  	[sflag:s18] =	ssyncset.done $0x0  }
0xb2: {  	[sflag:s18] =	ssyncadd.s32 $0xFFFFFFE0  }
0xb3: {  	_ =	sfence.sel $0x180000  }
0xb4: {  	[bflag:$0x0] =	sbarrier.arrive $0xFFFF  }
0xb5: {  	p0 =	sne.s32 s2, $0x0;
	_ =	strace $0x90000047  }
0xb6: {  	s0 =	sadd.s32 @!p0 $0x100000, s0;
	[bflag:$0x2] =	sbarrier.arrive $0xFFFF  }
0xb7: {  	[sflag:s0] =	ssyncadd.tile.s32 @!p0 $0x1;
	_ =	shalt  }
.Lfunc_end2:
_tile_overlayer_lowered:
.L_overlay_start_2:
0xb8: {  	(tag) =	ssettag $0x2  }
0xb9: {  	s0 =	rddreg [dreg:$0x0];
	s2 =	stileid.u32  }
0xba: {  	s1 =	rddreg [dreg:$0x1];
	p0 =	sne.s32 s2, $0x0  }
0xbb: {  	s3 =	rddreg [dreg:$0x2];
	[bflag:$0x3] =	sbarrier.arrive $0xFFFF;
	s2 =	simm.s32 @!p0 $0x1C02  }
0xbc: {  	[timem:s3], [sflag:s2] =	dma.local @!p0 [hbm:s0], s1  }
0xbd: {  	s0 =	simm.s32 @!p0 $0x2  }
0xbe: {  	_ =	swait.ge @!p0 [sflag:s0], s1  }
0xbf: {  	s1 =	ssub.s32 @!p0 $0x0, s1;
	[sflag:s0] =	ssyncset.done @!p0 $0x0  }
0xc0: {  	[sflag:s0] =	ssyncadd.s32 @!p0 s1  }
0xc1: {  	[bflag:$0x3] =	sbarrier.arrive $0xFFFF  }
0xc2: {  	_ =	shalt  }

</sc_bundles>
